<compile_context>
chip_gen: v7x
topology: tpu7x:2x2x1
jax: 0.10.2.dev20260603
libtpu: 0.0.44.dev20260713+nightly
codegen_flags: <defaults>
</compile_context>

<pallas_src>
import jax
import jax.numpy as jnp
from jax import lax
from jax.experimental import pallas as pl
from jax.experimental.pallas import tpu as pltpu
from jax.experimental.pallas import tpu_sc as plsc

_STATIC_LEN = 8192
_HIDDEN = 1024

_NUM_CORES = 2
_NUM_SUBCORES = 16
_NUM_WORKERS = _NUM_CORES * _NUM_SUBCORES
_SC_ROWS = 2048
_SC_ROWS_PER_WORKER = _SC_ROWS // _NUM_WORKERS

_TC_ROWS = _STATIC_LEN - _SC_ROWS
_TC_CHUNK = 512
_TC_NCHUNKS = _TC_ROWS // _TC_CHUNK
_TC_NBUF = 8

_MG_CHUNK = 512
_MG_NCHUNKS = _SC_ROWS // _MG_CHUNK
_MG_NBUF = 4


def _sc_part(src_hbm, start_hbm, out_hbm, start_v, buf, ls, ss):
    wid = lax.axis_index("s") * _NUM_CORES + lax.axis_index("c")
    pltpu.sync_copy(start_hbm, start_v)
    start = pl.multiple_of(start_v[...][0], 8)
    base = wid * _SC_ROWS_PER_WORKER
    pltpu.async_copy(
        src_hbm.at[pl.ds(start + base, _SC_ROWS_PER_WORKER), :],
        buf, ls).wait()
    pltpu.async_copy(
        buf, out_hbm.at[pl.ds(base, _SC_ROWS_PER_WORKER), :], ss).wait()


def _ring(src_ref, dst_ref, src_off, dst_off, chunk, nchunks, nbuf,
          bufs, lsems, ssems):
    def load(g):
        return pltpu.async_copy(
            src_ref.at[pl.ds(src_off + g * chunk, chunk), :],
            bufs[g % nbuf], lsems[g % nbuf])

    def store(g):
        return pltpu.async_copy(
            bufs[g % nbuf],
            dst_ref.at[pl.ds(dst_off + g * chunk, chunk), :],
            ssems[g % nbuf])

    loads = [None] * nchunks
    stores = [None] * nchunks
    ahead = max(nbuf - 2, 1)
    for g in range(min(ahead, nchunks)):
        loads[g] = load(g)
    for g in range(nchunks):
        idx = g + ahead
        if idx < nchunks:
            if g >= 2:
                stores[g - 2].wait()
            loads[idx] = load(idx)
        loads[g].wait()
        stores[g] = store(g)
    for g in range(max(nchunks - nbuf, 0), nchunks):
        stores[g].wait()


def _tc_bulk(start_ref, src_ref, out_ref, *rest):
    bufs = rest[:_TC_NBUF]
    lsems = rest[_TC_NBUF:2 * _TC_NBUF]
    ssems = rest[2 * _TC_NBUF:3 * _TC_NBUF]
    start = pl.multiple_of(start_ref[0], 8)
    _ring(src_ref, out_ref, start + _SC_ROWS, _SC_ROWS,
          _TC_CHUNK, _TC_NCHUNKS, _TC_NBUF, bufs, lsems, ssems)


def _tc_merge(big_ref, part_ref, out_ref, *rest):
    del big_ref
    bufs = rest[:_MG_NBUF]
    lsems = rest[_MG_NBUF:2 * _MG_NBUF]
    ssems = rest[2 * _MG_NBUF:3 * _MG_NBUF]
    _ring(part_ref, out_ref, 0, 0,
          _MG_CHUNK, _MG_NCHUNKS, _MG_NBUF, bufs, lsems, ssems)


@jax.jit
def kernel(freqs, seq_len):
    src = freqs.reshape(_STATIC_LEN * 8, _HIDDEN)
    start_i32 = jnp.asarray(seq_len, jnp.int32) - _STATIC_LEN
    start_vec = jnp.full((16,), start_i32, dtype=jnp.int32)
    start_smem = start_i32.reshape(1)

    mesh = plsc.VectorSubcoreMesh(
        core_axis_name="c", subcore_axis_name="s",
        num_cores=_NUM_CORES, num_subcores=_NUM_SUBCORES)
    sc_out = pl.kernel(
        _sc_part,
        out_type=jax.ShapeDtypeStruct((_SC_ROWS, _HIDDEN), jnp.float32),
        mesh=mesh,
        scratch_types=[
            pltpu.VMEM((16,), jnp.int32),
            pltpu.VMEM((_SC_ROWS_PER_WORKER, _HIDDEN), jnp.float32),
            pltpu.SemaphoreType.DMA,
            pltpu.SemaphoreType.DMA,
        ],
    )(src, start_vec)

    big = pl.pallas_call(
        _tc_bulk,
        out_shape=jax.ShapeDtypeStruct((_STATIC_LEN, _HIDDEN), jnp.float32),
        in_specs=[
            pl.BlockSpec(memory_space=pltpu.SMEM),
            pl.BlockSpec(memory_space=pl.ANY),
        ],
        out_specs=pl.BlockSpec(memory_space=pl.ANY),
        scratch_shapes=(
            [pltpu.VMEM((_TC_CHUNK, _HIDDEN), jnp.float32)] * _TC_NBUF
            + [pltpu.SemaphoreType.DMA] * (2 * _TC_NBUF)
        ),
    )(start_smem, src)

    out = pl.pallas_call(
        _tc_merge,
        out_shape=jax.ShapeDtypeStruct((_STATIC_LEN, _HIDDEN), jnp.float32),
        in_specs=[
            pl.BlockSpec(memory_space=pl.ANY),
            pl.BlockSpec(memory_space=pl.ANY),
        ],
        out_specs=pl.BlockSpec(memory_space=pl.ANY),
        input_output_aliases={0: 0},
        scratch_shapes=(
            [pltpu.VMEM((_MG_CHUNK, _HIDDEN), jnp.float32)] * _MG_NBUF
            + [pltpu.SemaphoreType.DMA] * (2 * _MG_NBUF)
        ),
    )(big, sc_out)
    return out.reshape(1, _STATIC_LEN, _HIDDEN)

# --- scband reference (transcript-rebuilt; emitter-appended) ---
"""Pipeline reference for scband-srte-22746146799908 (READ-ONLY COPY).

The authoritative reference and input builder live on the scoring server;
editing this copy changes nothing except your own understanding.
"""

import jax, jax.numpy as jnp
import numpy as np

MAX_LEN = 65536
HIDDEN = 1024

def setup_inputs(seed: int = 0) -> dict:
    key = jax.random.key(seed)
    freqs = jax.random.normal(key, (1, MAX_LEN, HIDDEN), dtype=jnp.float32) * 0.02
    return {"freqs": freqs, "seq_len": 8192}

def reference(freqs, seq_len):
    # SRTE forward: slice the learnable relative-time encoding table
    # to the requested sequence length -> [1, seq_len, hidden_size]
    static_len = 8192
    start = jnp.asarray(seq_len, dtype=jnp.int32) - static_len
    zero = jnp.zeros((), dtype=jnp.int32)
    return jax.lax.dynamic_slice(
        freqs, (zero, start, zero), (freqs.shape[0], static_len, freqs.shape[2])
    )

if __name__ == "__main__":
    import jax
    _d = setup_inputs()
    print(jax.jit(kernel)(*tuple(_d.values())))

</pallas_src>

<mosaic_0001>
#map = affine_map<(d0, d1) -> (0, 0)>
#map1 = affine_map<(d0, d1) -> (0)>
module attributes {stable_mosaic.version = 14 : i64} {
  func.func @_sc_part(%arg0: i32, %arg1: i32, %arg2: memref<65536x1024xf32, #tpu.memory_space<hbm>>, %arg3: memref<16xi32, #tpu.memory_space<hbm>>, %arg4: memref<2048x1024xf32, #tpu.memory_space<hbm>>, %arg5: memref<16xi32, #tpu.memory_space<vmem>>, %arg6: memref<64x1024xf32, #tpu.memory_space<vmem>>, %arg7: memref<!tpu.dma_semaphore, #tpu.memory_space<semaphore_mem>>, %arg8: memref<!tpu.dma_semaphore, #tpu.memory_space<semaphore_mem>>) attributes {dimension_semantics = [#tpu.dimension_semantics<core_parallel>, #tpu.dimension_semantics<subcore_parallel>], iteration_bounds = array<i64: 2, 16>, scalar_prefetch = 0 : i64, scratch_operands = 4 : i64, tpu.core_type = #tpu.core_type<sc_vector_subcore>, window_params = [{transform_indices = #map}, {transform_indices = #map1}, {transform_indices = #map}]} {
    %mul3A = arith.constant 2 : i32
    %mul3A_0 = arith.muli %arg1, %mul3A : i32
    %add3A = arith.addi %mul3A_0, %arg0 : i32
    "tpu.region"() ({
      %run_scoped3A = tpu.sem_alloc : memref<!tpu.dma_semaphore, #tpu.memory_space<semaphore_mem>>
      tpu.enqueue_dma source(%arg3 : memref<16xi32, #tpu.memory_space<hbm>>) target(%arg5 : memref<16xi32, #tpu.memory_space<vmem>>) target_semaphore(%run_scoped3A : memref<!tpu.dma_semaphore, #tpu.memory_space<semaphore_mem>>)
      tpu.wait_dma2 semaphore(%run_scoped3A : memref<!tpu.dma_semaphore, #tpu.memory_space<semaphore_mem>>) src(%arg3 : memref<16xi32, #tpu.memory_space<hbm>>) dst(%arg5 : memref<16xi32, #tpu.memory_space<vmem>>)
      tpu.yield
    }) : () -> ()
    %get3A = arith.constant 0 : index
    %get3A_1 = tpu.vector_load %arg5[%get3A] {strides = array<i32>} : memref<16xi32, #tpu.memory_space<vmem>>, vector<16xi32>,
    %get3A_2 = vector.shape_cast %get3A_1 : vector<16xi32> to vector<16xi32>
    %slice3A = vector.extract_strided_slice %get3A_2 {offsets = [0], sizes = [1], strides = [1]} : vector<16xi32> to vector<1xi32>
    %squeeze3A = vector.extract %slice3A[0] : i32 from vector<1xi32>
    %multiple_of3A = tpu.assume_multiple %squeeze3A, 8 : i32
    %mul3A_3 = arith.constant 64 : i32
    %mul3A_4 = arith.muli %add3A, %mul3A_3 : i32
    %add3A_5 = arith.addi %multiple_of3A, %mul3A_4 : i32
    %dma_start3A = arith.constant 0 : i32
    %dma_start3A_6 = tpu.memref_slice %arg2[%add3A_5, %dma_start3A] : memref<65536x1024xf32, #tpu.memory_space<hbm>> -> memref<64x1024xf32, #tpu.memory_space<hbm>>
    %dma_start3A_7 = arith.constant 0 : i32
    %dma_start3A_8 = tpu.memref_slice %arg2[%add3A_5, %dma_start3A_7] : memref<65536x1024xf32, #tpu.memory_space<hbm>> -> memref<64x1024xf32, #tpu.memory_space<hbm>>
    tpu.enqueue_dma source(%dma_start3A_8 : memref<64x1024xf32, #tpu.memory_space<hbm>>) target(%arg6 : memref<64x1024xf32, #tpu.memory_space<vmem>>) target_semaphore(%arg7 : memref<!tpu.dma_semaphore, #tpu.memory_space<semaphore_mem>>)
    %dma_wait3A = arith.constant 0 : i32
    %dma_wait3A_9 = tpu.memref_slice %arg2[%add3A_5, %dma_wait3A] : memref<65536x1024xf32, #tpu.memory_space<hbm>> -> memref<64x1024xf32, #tpu.memory_space<hbm>>
    %dma_wait3A_10 = arith.constant 0 : i32
    %dma_wait3A_11 = tpu.memref_slice %arg2[%add3A_5, %dma_wait3A_10] : memref<65536x1024xf32, #tpu.memory_space<hbm>> -> memref<64x1024xf32, #tpu.memory_space<hbm>>
    tpu.wait_dma2 semaphore(%arg7 : memref<!tpu.dma_semaphore, #tpu.memory_space<semaphore_mem>>) src(%dma_wait3A_11 : memref<64x1024xf32, #tpu.memory_space<hbm>>) dst(%arg6 : memref<64x1024xf32, #tpu.memory_space<vmem>>)
    %dma_start3A_12 = arith.constant 0 : i32
    %dma_start3A_13 = tpu.memref_slice %arg4[%mul3A_4, %dma_start3A_12] : memref<2048x1024xf32, #tpu.memory_space<hbm>> -> memref<64x1024xf32, #tpu.memory_space<hbm>>
    %dma_start3A_14 = arith.constant 0 : i32
    %dma_start3A_15 = tpu.memref_slice %arg4[%mul3A_4, %dma_start3A_14] : memref<2048x1024xf32, #tpu.memory_space<hbm>> -> memref<64x1024xf32, #tpu.memory_space<hbm>>
    tpu.enqueue_dma source(%arg6 : memref<64x1024xf32, #tpu.memory_space<vmem>>) target(%dma_start3A_15 : memref<64x1024xf32, #tpu.memory_space<hbm>>) target_semaphore(%arg8 : memref<!tpu.dma_semaphore, #tpu.memory_space<semaphore_mem>>)
    %dma_wait3A_16 = arith.constant 0 : i32
    %dma_wait3A_17 = tpu.memref_slice %arg4[%mul3A_4, %dma_wait3A_16] : memref<2048x1024xf32, #tpu.memory_space<hbm>> -> memref<64x1024xf32, #tpu.memory_space<hbm>>
    %dma_wait3A_18 = arith.constant 0 : i32
    %dma_wait3A_19 = tpu.memref_slice %arg4[%mul3A_4, %dma_wait3A_18] : memref<2048x1024xf32, #tpu.memory_space<hbm>> -> memref<64x1024xf32, #tpu.memory_space<hbm>>
    tpu.wait_dma2 semaphore(%arg8 : memref<!tpu.dma_semaphore, #tpu.memory_space<semaphore_mem>>) src(%arg6 : memref<64x1024xf32, #tpu.memory_space<vmem>>) dst(%dma_wait3A_19 : memref<64x1024xf32, #tpu.memory_space<hbm>>)
    return
  }
}

module attributes {stable_mosaic.version = 14 : i64} {
  func.func @_tc_merge(%arg0: memref<8192x1024xf32, #tpu.memory_space<any>>, %arg1: memref<2048x1024xf32, #tpu.memory_space<any>>, %arg2: memref<8192x1024xf32, #tpu.memory_space<any>>, %arg3: memref<512x1024xf32, #tpu.memory_space<vmem>>, %arg4: memref<512x1024xf32, #tpu.memory_space<vmem>>, %arg5: memref<512x1024xf32, #tpu.memory_space<vmem>>, %arg6: memref<512x1024xf32, #tpu.memory_space<vmem>>, %arg7: memref<!tpu.dma_semaphore, #tpu.memory_space<semaphore_mem>>, %arg8: memref<!tpu.dma_semaphore, #tpu.memory_space<semaphore_mem>>, %arg9: memref<!tpu.dma_semaphore, #tpu.memory_space<semaphore_mem>>, %arg10: memref<!tpu.dma_semaphore, #tpu.memory_space<semaphore_mem>>, %arg11: memref<!tpu.dma_semaphore, #tpu.memory_space<semaphore_mem>>, %arg12: memref<!tpu.dma_semaphore, #tpu.memory_space<semaphore_mem>>, %arg13: memref<!tpu.dma_semaphore, #tpu.memory_space<semaphore_mem>>, %arg14: memref<!tpu.dma_semaphore, #tpu.memory_space<semaphore_mem>>) attributes {dimension_semantics = [], scalar_prefetch = 0 : i64, scratch_operands = 12 : i64, tpu.core_type = #tpu.core_type<tc>} {
    %dma_start3A = arith.constant 0 : i32
    %dma_start3A_0 = arith.constant 0 : i32
    %dma_start3A_1 = tpu.memref_slice %arg1[%dma_start3A, %dma_start3A_0] : memref<2048x1024xf32, #tpu.memory_space<any>> -> memref<512x1024xf32, #tpu.memory_space<any>>
    tpu.enqueue_dma source(%dma_start3A_1 : memref<512x1024xf32, #tpu.memory_space<any>>) target(%arg3 : memref<512x1024xf32, #tpu.memory_space<vmem>>) target_semaphore(%arg7 : memref<!tpu.dma_semaphore, #tpu.memory_space<semaphore_mem>>)
    %dma_start3A_2 = arith.constant 512 : i32
    %dma_start3A_3 = arith.constant 0 : i32
    %dma_start3A_4 = tpu.memref_slice %arg1[%dma_start3A_2, %dma_start3A_3] : memref<2048x1024xf32, #tpu.memory_space<any>> -> memref<512x1024xf32, #tpu.memory_space<any>>
    tpu.enqueue_dma source(%dma_start3A_4 : memref<512x1024xf32, #tpu.memory_space<any>>) target(%arg4 : memref<512x1024xf32, #tpu.memory_space<vmem>>) target_semaphore(%arg8 : memref<!tpu.dma_semaphore, #tpu.memory_space<semaphore_mem>>)
    %dma_start3A_5 = arith.constant 1024 : i32
    %dma_start3A_6 = arith.constant 0 : i32
    %dma_start3A_7 = tpu.memref_slice %arg1[%dma_start3A_5, %dma_start3A_6] : memref<2048x1024xf32, #tpu.memory_space<any>> -> memref<512x1024xf32, #tpu.memory_space<any>>
    tpu.enqueue_dma source(%dma_start3A_7 : memref<512x1024xf32, #tpu.memory_space<any>>) target(%arg5 : memref<512x1024xf32, #tpu.memory_space<vmem>>) target_semaphore(%arg9 : memref<!tpu.dma_semaphore, #tpu.memory_space<semaphore_mem>>)
    %dma_wait3A = arith.constant 0 : i32
    %dma_wait3A_8 = arith.constant 0 : i32
    %dma_wait3A_9 = tpu.memref_slice %arg1[%dma_wait3A, %dma_wait3A_8] : memref<2048x1024xf32, #tpu.memory_space<any>> -> memref<512x1024xf32, #tpu.memory_space<any>>
    tpu.wait_dma2 semaphore(%arg7 : memref<!tpu.dma_semaphore, #tpu.memory_space<semaphore_mem>>) src(%dma_wait3A_9 : memref<512x1024xf32, #tpu.memory_space<any>>) dst(%arg3 : memref<512x1024xf32, #tpu.memory_space<vmem>>)
    %dma_start3A_10 = arith.constant 0 : i32
    %dma_start3A_11 = arith.constant 0 : i32
    %dma_start3A_12 = tpu.memref_slice %arg2[%dma_start3A_10, %dma_start3A_11] : memref<8192x1024xf32, #tpu.memory_space<any>> -> memref<512x1024xf32, #tpu.memory_space<any>>
    tpu.enqueue_dma source(%arg3 : memref<512x1024xf32, #tpu.memory_space<vmem>>) target(%dma_start3A_12 : memref<512x1024xf32, #tpu.memory_space<any>>) target_semaphore(%arg11 : memref<!tpu.dma_semaphore, #tpu.memory_space<semaphore_mem>>)
    %dma_start3A_13 = arith.constant 1536 : i32
    %dma_start3A_14 = arith.constant 0 : i32
    %dma_start3A_15 = tpu.memref_slice %arg1[%dma_start3A_13, %dma_start3A_14] : memref<2048x1024xf32, #tpu.memory_space<any>> -> memref<512x1024xf32, #tpu.memory_space<any>>
    tpu.enqueue_dma source(%dma_start3A_15 : memref<512x1024xf32, #tpu.memory_space<any>>) target(%arg6 : memref<512x1024xf32, #tpu.memory_space<vmem>>) target_semaphore(%arg10 : memref<!tpu.dma_semaphore, #tpu.memory_space<semaphore_mem>>)
    %dma_wait3A_16 = arith.constant 512 : i32
    %dma_wait3A_17 = arith.constant 0 : i32
    %dma_wait3A_18 = tpu.memref_slice %arg1[%dma_wait3A_16, %dma_wait3A_17] : memref<2048x1024xf32, #tpu.memory_space<any>> -> memref<512x1024xf32, #tpu.memory_space<any>>
    tpu.wait_dma2 semaphore(%arg8 : memref<!tpu.dma_semaphore, #tpu.memory_space<semaphore_mem>>) src(%dma_wait3A_18 : memref<512x1024xf32, #tpu.memory_space<any>>) dst(%arg4 : memref<512x1024xf32, #tpu.memory_space<vmem>>)
    %dma_start3A_19 = arith.constant 512 : i32
    %dma_start3A_20 = arith.constant 0 : i32
    %dma_start3A_21 = tpu.memref_slice %arg2[%dma_start3A_19, %dma_start3A_20] : memref<8192x1024xf32, #tpu.memory_space<any>> -> memref<512x1024xf32, #tpu.memory_space<any>>
    tpu.enqueue_dma source(%arg4 : memref<512x1024xf32, #tpu.memory_space<vmem>>) target(%dma_start3A_21 : memref<512x1024xf32, #tpu.memory_space<any>>) target_semaphore(%arg12 : memref<!tpu.dma_semaphore, #tpu.memory_space<semaphore_mem>>)
    %dma_wait3A_22 = arith.constant 1024 : i32
    %dma_wait3A_23 = arith.constant 0 : i32
    %dma_wait3A_24 = tpu.memref_slice %arg1[%dma_wait3A_22, %dma_wait3A_23] : memref<2048x1024xf32, #tpu.memory_space<any>> -> memref<512x1024xf32, #tpu.memory_space<any>>
    tpu.wait_dma2 semaphore(%arg9 : memref<!tpu.dma_semaphore, #tpu.memory_space<semaphore_mem>>) src(%dma_wait3A_24 : memref<512x1024xf32, #tpu.memory_space<any>>) dst(%arg5 : memref<512x1024xf32, #tpu.memory_space<vmem>>)
    %dma_start3A_25 = arith.constant 1024 : i32
    %dma_start3A_26 = arith.constant 0 : i32
    %dma_start3A_27 = tpu.memref_slice %arg2[%dma_start3A_25, %dma_start3A_26] : memref<8192x1024xf32, #tpu.memory_space<any>> -> memref<512x1024xf32, #tpu.memory_space<any>>
    tpu.enqueue_dma source(%arg5 : memref<512x1024xf32, #tpu.memory_space<vmem>>) target(%dma_start3A_27 : memref<512x1024xf32, #tpu.memory_space<any>>) target_semaphore(%arg13 : memref<!tpu.dma_semaphore, #tpu.memory_space<semaphore_mem>>)
    %dma_wait3A_28 = arith.constant 1536 : i32
    %dma_wait3A_29 = arith.constant 0 : i32
    %dma_wait3A_30 = tpu.memref_slice %arg1[%dma_wait3A_28, %dma_wait3A_29] : memref<2048x1024xf32, #tpu.memory_space<any>> -> memref<512x1024xf32, #tpu.memory_space<any>>
    tpu.wait_dma2 semaphore(%arg10 : memref<!tpu.dma_semaphore, #tpu.memory_space<semaphore_mem>>) src(%dma_wait3A_30 : memref<512x1024xf32, #tpu.memory_space<any>>) dst(%arg6 : memref<512x1024xf32, #tpu.memory_space<vmem>>)
    %dma_start3A_31 = arith.constant 1536 : i32
    %dma_start3A_32 = arith.constant 0 : i32
    %dma_start3A_33 = tpu.memref_slice %arg2[%dma_start3A_31, %dma_start3A_32] : memref<8192x1024xf32, #tpu.memory_space<any>> -> memref<512x1024xf32, #tpu.memory_space<any>>
    tpu.enqueue_dma source(%arg6 : memref<512x1024xf32, #tpu.memory_space<vmem>>) target(%dma_start3A_33 : memref<512x1024xf32, #tpu.memory_space<any>>) target_semaphore(%arg14 : memref<!tpu.dma_semaphore, #tpu.memory_space<semaphore_mem>>)
    %dma_wait3A_34 = arith.constant 0 : i32
    %dma_wait3A_35 = arith.constant 0 : i32
    %dma_wait3A_36 = tpu.memref_slice %arg2[%dma_wait3A_34, %dma_wait3A_35] : memref<8192x1024xf32, #tpu.memory_space<any>> -> memref<512x1024xf32, #tpu.memory_space<any>>
    tpu.wait_dma2 semaphore(%arg11 : memref<!tpu.dma_semaphore, #tpu.memory_space<semaphore_mem>>) src(%arg3 : memref<512x1024xf32, #tpu.memory_space<vmem>>) dst(%dma_wait3A_36 : memref<512x1024xf32, #tpu.memory_space<any>>)
    %dma_wait3A_37 = arith.constant 512 : i32
    %dma_wait3A_38 = arith.constant 0 : i32
    %dma_wait3A_39 = tpu.memref_slice %arg2[%dma_wait3A_37, %dma_wait3A_38] : memref<8192x1024xf32, #tpu.memory_space<any>> -> memref<512x1024xf32, #tpu.memory_space<any>>
    tpu.wait_dma2 semaphore(%arg12 : memref<!tpu.dma_semaphore, #tpu.memory_space<semaphore_mem>>) src(%arg4 : memref<512x1024xf32, #tpu.memory_space<vmem>>) dst(%dma_wait3A_39 : memref<512x1024xf32, #tpu.memory_space<any>>)
    %dma_wait3A_40 = arith.constant 1024 : i32
    %dma_wait3A_41 = arith.constant 0 : i32
    %dma_wait3A_42 = tpu.memref_slice %arg2[%dma_wait3A_40, %dma_wait3A_41] : memref<8192x1024xf32, #tpu.memory_space<any>> -> memref<512x1024xf32, #tpu.memory_space<any>>
    tpu.wait_dma2 semaphore(%arg13 : memref<!tpu.dma_semaphore, #tpu.memory_space<semaphore_mem>>) src(%arg5 : memref<512x1024xf32, #tpu.memory_space<vmem>>) dst(%dma_wait3A_42 : memref<512x1024xf32, #tpu.memory_space<any>>)
    %dma_wait3A_43 = arith.constant 1536 : i32
    %dma_wait3A_44 = arith.constant 0 : i32
    %dma_wait3A_45 = tpu.memref_slice %arg2[%dma_wait3A_43, %dma_wait3A_44] : memref<8192x1024xf32, #tpu.memory_space<any>> -> memref<512x1024xf32, #tpu.memory_space<any>>
    tpu.wait_dma2 semaphore(%arg14 : memref<!tpu.dma_semaphore, #tpu.memory_space<semaphore_mem>>) src(%arg6 : memref<512x1024xf32, #tpu.memory_space<vmem>>) dst(%dma_wait3A_45 : memref<512x1024xf32, #tpu.memory_space<any>>)
    return
  }
}

module attributes {stable_mosaic.version = 14 : i64} {
  func.func @_tc_bulk(%arg0: memref<1xi32, #tpu.memory_space<smem>>, %arg1: memref<65536x1024xf32, #tpu.memory_space<any>>, %arg2: memref<8192x1024xf32, #tpu.memory_space<any>>, %arg3: memref<512x1024xf32, #tpu.memory_space<vmem>>, %arg4: memref<512x1024xf32, #tpu.memory_space<vmem>>, %arg5: memref<512x1024xf32, #tpu.memory_space<vmem>>, %arg6: memref<512x1024xf32, #tpu.memory_space<vmem>>, %arg7: memref<512x1024xf32, #tpu.memory_space<vmem>>, %arg8: memref<512x1024xf32, #tpu.memory_space<vmem>>, %arg9: memref<512x1024xf32, #tpu.memory_space<vmem>>, %arg10: memref<512x1024xf32, #tpu.memory_space<vmem>>, %arg11: memref<!tpu.dma_semaphore, #tpu.memory_space<semaphore_mem>>, %arg12: memref<!tpu.dma_semaphore, #tpu.memory_space<semaphore_mem>>, %arg13: memref<!tpu.dma_semaphore, #tpu.memory_space<semaphore_mem>>, %arg14: memref<!tpu.dma_semaphore, #tpu.memory_space<semaphore_mem>>, %arg15: memref<!tpu.dma_semaphore, #tpu.memory_space<semaphore_mem>>, %arg16: memref<!tpu.dma_semaphore, #tpu.memory_space<semaphore_mem>>, %arg17: memref<!tpu.dma_semaphore, #tpu.memory_space<semaphore_mem>>, %arg18: memref<!tpu.dma_semaphore, #tpu.memory_space<semaphore_mem>>, %arg19: memref<!tpu.dma_semaphore, #tpu.memory_space<semaphore_mem>>, %arg20: memref<!tpu.dma_semaphore, #tpu.memory_space<semaphore_mem>>, %arg21: memref<!tpu.dma_semaphore, #tpu.memory_space<semaphore_mem>>, %arg22: memref<!tpu.dma_semaphore, #tpu.memory_space<semaphore_mem>>, %arg23: memref<!tpu.dma_semaphore, #tpu.memory_space<semaphore_mem>>, %arg24: memref<!tpu.dma_semaphore, #tpu.memory_space<semaphore_mem>>, %arg25: memref<!tpu.dma_semaphore, #tpu.memory_space<semaphore_mem>>, %arg26: memref<!tpu.dma_semaphore, #tpu.memory_space<semaphore_mem>>) attributes {dimension_semantics = [], scalar_prefetch = 0 : i64, scratch_operands = 24 : i64, tpu.core_type = #tpu.core_type<tc>} {
    %get3A = arith.constant 0 : index
    %get3A_0 = memref.load %arg0[%get3A] : memref<1xi32, #tpu.memory_space<smem>>
    %multiple_of3A = tpu.assume_multiple %get3A_0, 8 : i32
    %add3A = arith.constant 2048 : i32
    %add3A_1 = arith.addi %multiple_of3A, %add3A : i32
    %add3A_2 = arith.constant 0 : i32
    %add3A_3 = arith.addi %add3A_1, %add3A_2 : i32
    %dma_start3A = arith.constant 0 : i32
    %dma_start3A_4 = tpu.memref_slice %arg1[%add3A_3, %dma_start3A] : memref<65536x1024xf32, #tpu.memory_space<any>> -> memref<512x1024xf32, #tpu.memory_space<any>>
    tpu.enqueue_dma source(%dma_start3A_4 : memref<512x1024xf32, #tpu.memory_space<any>>) target(%arg3 : memref<512x1024xf32, #tpu.memory_space<vmem>>) target_semaphore(%arg11 : memref<!tpu.dma_semaphore, #tpu.memory_space<semaphore_mem>>)
    %add3A_5 = arith.constant 512 : i32
    %add3A_6 = arith.addi %add3A_1, %add3A_5 : i32
    %dma_start3A_7 = arith.constant 0 : i32
    %dma_start3A_8 = tpu.memref_slice %arg1[%add3A_6, %dma_start3A_7] : memref<65536x1024xf32, #tpu.memory_space<any>> -> memref<512x1024xf32, #tpu.memory_space<any>>
    tpu.enqueue_dma source(%dma_start3A_8 : memref<512x1024xf32, #tpu.memory_space<any>>) target(%arg4 : memref<512x1024xf32, #tpu.memory_space<vmem>>) target_semaphore(%arg12 : memref<!tpu.dma_semaphore, #tpu.memory_space<semaphore_mem>>)
    %add3A_9 = arith.constant 1024 : i32
    %add3A_10 = arith.addi %add3A_1, %add3A_9 : i32
    %dma_start3A_11 = arith.constant 0 : i32
    %dma_start3A_12 = tpu.memref_slice %arg1[%add3A_10, %dma_start3A_11] : memref<65536x1024xf32, #tpu.memory_space<any>> -> memref<512x1024xf32, #tpu.memory_space<any>>
    tpu.enqueue_dma source(%dma_start3A_12 : memref<512x1024xf32, #tpu.memory_space<any>>) target(%arg5 : memref<512x1024xf32, #tpu.memory_space<vmem>>) target_semaphore(%arg13 : memref<!tpu.dma_semaphore, #tpu.memory_space<semaphore_mem>>)
    %add3A_13 = arith.constant 1536 : i32
    %add3A_14 = arith.addi %add3A_1, %add3A_13 : i32
    %dma_start3A_15 = arith.constant 0 : i32
    %dma_start3A_16 = tpu.memref_slice %arg1[%add3A_14, %dma_start3A_15] : memref<65536x1024xf32, #tpu.memory_space<any>> -> memref<512x1024xf32, #tpu.memory_space<any>>
    tpu.enqueue_dma source(%dma_start3A_16 : memref<512x1024xf32, #tpu.memory_space<any>>) target(%arg6 : memref<512x1024xf32, #tpu.memory_space<vmem>>) target_semaphore(%arg14 : memref<!tpu.dma_semaphore, #tpu.memory_space<semaphore_mem>>)
    %add3A_17 = arith.constant 2048 : i32
    %add3A_18 = arith.addi %add3A_1, %add3A_17 : i32
    %dma_start3A_19 = arith.constant 0 : i32
    %dma_start3A_20 = tpu.memref_slice %arg1[%add3A_18, %dma_start3A_19] : memref<65536x1024xf32, #tpu.memory_space<any>> -> memref<512x1024xf32, #tpu.memory_space<any>>
    tpu.enqueue_dma source(%dma_start3A_20 : memref<512x1024xf32, #tpu.memory_space<any>>) target(%arg7 : memref<512x1024xf32, #tpu.memory_space<vmem>>) target_semaphore(%arg15 : memref<!tpu.dma_semaphore, #tpu.memory_space<semaphore_mem>>)
    %add3A_21 = arith.constant 2560 : i32
    %add3A_22 = arith.addi %add3A_1, %add3A_21 : i32
    %dma_start3A_23 = arith.constant 0 : i32
    %dma_start3A_24 = tpu.memref_slice %arg1[%add3A_22, %dma_start3A_23] : memref<65536x1024xf32, #tpu.memory_space<any>> -> memref<512x1024xf32, #tpu.memory_space<any>>
    tpu.enqueue_dma source(%dma_start3A_24 : memref<512x1024xf32, #tpu.memory_space<any>>) target(%arg8 : memref<512x1024xf32, #tpu.memory_space<vmem>>) target_semaphore(%arg16 : memref<!tpu.dma_semaphore, #tpu.memory_space<semaphore_mem>>)
    %add3A_25 = arith.constant 3072 : i32
    %add3A_26 = arith.addi %add3A_1, %add3A_25 : i32
    %dma_start3A_27 = arith.constant 0 : i32
    %dma_start3A_28 = tpu.memref_slice %arg1[%add3A_26, %dma_start3A_27] : memref<65536x1024xf32, #tpu.memory_space<any>> -> memref<512x1024xf32, #tpu.memory_space<any>>
    tpu.enqueue_dma source(%dma_start3A_28 : memref<512x1024xf32, #tpu.memory_space<any>>) target(%arg9 : memref<512x1024xf32, #tpu.memory_space<vmem>>) target_semaphore(%arg17 : memref<!tpu.dma_semaphore, #tpu.memory_space<semaphore_mem>>)
    %dma_wait3A = arith.constant 0 : i32
    %dma_wait3A_29 = tpu.memref_slice %arg1[%add3A_3, %dma_wait3A] : memref<65536x1024xf32, #tpu.memory_space<any>> -> memref<512x1024xf32, #tpu.memory_space<any>>
    tpu.wait_dma2 semaphore(%arg11 : memref<!tpu.dma_semaphore, #tpu.memory_space<semaphore_mem>>) src(%dma_wait3A_29 : memref<512x1024xf32, #tpu.memory_space<any>>) dst(%arg3 : memref<512x1024xf32, #tpu.memory_space<vmem>>)
    %dma_start3A_30 = arith.constant 2048 : i32
    %dma_start3A_31 = arith.constant 0 : i32
    %dma_start3A_32 = tpu.memref_slice %arg2[%dma_start3A_30, %dma_start3A_31] : memref<8192x1024xf32, #tpu.memory_space<any>> -> memref<512x1024xf32, #tpu.memory_space<any>>
    tpu.enqueue_dma source(%arg3 : memref<512x1024xf32, #tpu.memory_space<vmem>>) target(%dma_start3A_32 : memref<512x1024xf32, #tpu.memory_space<any>>) target_semaphore(%arg19 : memref<!tpu.dma_semaphore, #tpu.memory_space<semaphore_mem>>)
    %add3A_33 = arith.constant 3584 : i32
    %add3A_34 = arith.addi %add3A_1, %add3A_33 : i32
    %dma_start3A_35 = arith.constant 0 : i32
    %dma_start3A_36 = tpu.memref_slice %arg1[%add3A_34, %dma_start3A_35] : memref<65536x1024xf32, #tpu.memory_space<any>> -> memref<512x1024xf32, #tpu.memory_space<any>>
    tpu.enqueue_dma source(%dma_start3A_36 : memref<512x1024xf32, #tpu.memory_space<any>>) target(%arg10 : memref<512x1024xf32, #tpu.memory_space<vmem>>) target_semaphore(%arg18 : memref<!tpu.dma_semaphore, #tpu.memory_space<semaphore_mem>>)
    %dma_wait3A_37 = arith.constant 0 : i32
    %dma_wait3A_38 = tpu.memref_slice %arg1[%add3A_6, %dma_wait3A_37] : memref<65536x1024xf32, #tpu.memory_space<any>> -> memref<512x1024xf32, #tpu.memory_space<any>>
    tpu.wait_dma2 semaphore(%arg12 : memref<!tpu.dma_semaphore, #tpu.memory_space<semaphore_mem>>) src(%dma_wait3A_38 : memref<512x1024xf32, #tpu.memory_space<any>>) dst(%arg4 : memref<512x1024xf32, #tpu.memory_space<vmem>>)
    %dma_start3A_39 = arith.constant 2560 : i32
    %dma_start3A_40 = arith.constant 0 : i32
    %dma_start3A_41 = tpu.memref_slice %arg2[%dma_start3A_39, %dma_start3A_40] : memref<8192x1024xf32, #tpu.memory_space<any>> -> memref<512x1024xf32, #tpu.memory_space<any>>
    tpu.enqueue_dma source(%arg4 : memref<512x1024xf32, #tpu.memory_space<vmem>>) target(%dma_start3A_41 : memref<512x1024xf32, #tpu.memory_space<any>>) target_semaphore(%arg20 : memref<!tpu.dma_semaphore, #tpu.memory_space<semaphore_mem>>)
    %dma_wait3A_42 = arith.constant 2048 : i32
    %dma_wait3A_43 = arith.constant 0 : i32
    %dma_wait3A_44 = tpu.memref_slice %arg2[%dma_wait3A_42, %dma_wait3A_43] : memref<8192x1024xf32, #tpu.memory_space<any>> -> memref<512x1024xf32, #tpu.memory_space<any>>
    tpu.wait_dma2 semaphore(%arg19 : memref<!tpu.dma_semaphore, #tpu.memory_space<semaphore_mem>>) src(%arg3 : memref<512x1024xf32, #tpu.memory_space<vmem>>) dst(%dma_wait3A_44 : memref<512x1024xf32, #tpu.memory_space<any>>)
    %add3A_45 = arith.constant 4096 : i32
    %add3A_46 = arith.addi %add3A_1, %add3A_45 : i32
    %dma_start3A_47 = arith.constant 0 : i32
    %dma_start3A_48 = tpu.memref_slice %arg1[%add3A_46, %dma_start3A_47] : memref<65536x1024xf32, #tpu.memory_space<any>> -> memref<512x1024xf32, #tpu.memory_space<any>>
    tpu.enqueue_dma source(%dma_start3A_48 : memref<512x1024xf32, #tpu.memory_space<any>>) target(%arg3 : memref<512x1024xf32, #tpu.memory_space<vmem>>) target_semaphore(%arg11 : memref<!tpu.dma_semaphore, #tpu.memory_space<semaphore_mem>>)
    %dma_wait3A_49 = arith.constant 0 : i32
    %dma_wait3A_50 = tpu.memref_slice %arg1[%add3A_10, %dma_wait3A_49] : memref<65536x1024xf32, #tpu.memory_space<any>> -> memref<512x1024xf32, #tpu.memory_space<any>>
    tpu.wait_dma2 semaphore(%arg13 : memref<!tpu.dma_semaphore, #tpu.memory_space<semaphore_mem>>) src(%dma_wait3A_50 : memref<512x1024xf32, #tpu.memory_space<any>>) dst(%arg5 : memref<512x1024xf32, #tpu.memory_space<vmem>>)
    %dma_start3A_51 = arith.constant 3072 : i32
    %dma_start3A_52 = arith.constant 0 : i32
    %dma_start3A_53 = tpu.memref_slice %arg2[%dma_start3A_51, %dma_start3A_52] : memref<8192x1024xf32, #tpu.memory_space<any>> -> memref<512x1024xf32, #tpu.memory_space<any>>
    tpu.enqueue_dma source(%arg5 : memref<512x1024xf32, #tpu.memory_space<vmem>>) target(%dma_start3A_53 : memref<512x1024xf32, #tpu.memory_space<any>>) target_semaphore(%arg21 : memref<!tpu.dma_semaphore, #tpu.memory_space<semaphore_mem>>)
    %dma_wait3A_54 = arith.constant 2560 : i32
    %dma_wait3A_55 = arith.constant 0 : i32
    %dma_wait3A_56 = tpu.memref_slice %arg2[%dma_wait3A_54, %dma_wait3A_55] : memref<8192x1024xf32, #tpu.memory_space<any>> -> memref<512x1024xf32, #tpu.memory_space<any>>
    tpu.wait_dma2 semaphore(%arg20 : memref<!tpu.dma_semaphore, #tpu.memory_space<semaphore_mem>>) src(%arg4 : memref<512x1024xf32, #tpu.memory_space<vmem>>) dst(%dma_wait3A_56 : memref<512x1024xf32, #tpu.memory_space<any>>)
    %add3A_57 = arith.constant 4608 : i32
    %add3A_58 = arith.addi %add3A_1, %add3A_57 : i32
    %dma_start3A_59 = arith.constant 0 : i32
    %dma_start3A_60 = tpu.memref_slice %arg1[%add3A_58, %dma_start3A_59] : memref<65536x1024xf32, #tpu.memory_space<any>> -> memref<512x1024xf32, #tpu.memory_space<any>>
    tpu.enqueue_dma source(%dma_start3A_60 : memref<512x1024xf32, #tpu.memory_space<any>>) target(%arg4 : memref<512x1024xf32, #tpu.memory_space<vmem>>) target_semaphore(%arg12 : memref<!tpu.dma_semaphore, #tpu.memory_space<semaphore_mem>>)
    %dma_wait3A_61 = arith.constant 0 : i32
    %dma_wait3A_62 = tpu.memref_slice %arg1[%add3A_14, %dma_wait3A_61] : memref<65536x1024xf32, #tpu.memory_space<any>> -> memref<512x1024xf32, #tpu.memory_space<any>>
    tpu.wait_dma2 semaphore(%arg14 : memref<!tpu.dma_semaphore, #tpu.memory_space<semaphore_mem>>) src(%dma_wait3A_62 : memref<512x1024xf32, #tpu.memory_space<any>>) dst(%arg6 : memref<512x1024xf32, #tpu.memory_space<vmem>>)
    %dma_start3A_63 = arith.constant 3584 : i32
    %dma_start3A_64 = arith.constant 0 : i32
    %dma_start3A_65 = tpu.memref_slice %arg2[%dma_start3A_63, %dma_start3A_64] : memref<8192x1024xf32, #tpu.memory_space<any>> -> memref<512x1024xf32, #tpu.memory_space<any>>
    tpu.enqueue_dma source(%arg6 : memref<512x1024xf32, #tpu.memory_space<vmem>>) target(%dma_start3A_65 : memref<512x1024xf32, #tpu.memory_space<any>>) target_semaphore(%arg22 : memref<!tpu.dma_semaphore, #tpu.memory_space<semaphore_mem>>)
    %dma_wait3A_66 = arith.constant 3072 : i32
    %dma_wait3A_67 = arith.constant 0 : i32
    %dma_wait3A_68 = tpu.memref_slice %arg2[%dma_wait3A_66, %dma_wait3A_67] : memref<8192x1024xf32, #tpu.memory_space<any>> -> memref<512x1024xf32, #tpu.memory_space<any>>
    tpu.wait_dma2 semaphore(%arg21 : memref<!tpu.dma_semaphore, #tpu.memory_space<semaphore_mem>>) src(%arg5 : memref<512x1024xf32, #tpu.memory_space<vmem>>) dst(%dma_wait3A_68 : memref<512x1024xf32, #tpu.memory_space<any>>)
    %add3A_69 = arith.constant 5120 : i32
    %add3A_70 = arith.addi %add3A_1, %add3A_69 : i32
    %dma_start3A_71 = arith.constant 0 : i32
    %dma_start3A_72 = tpu.memref_slice %arg1[%add3A_70, %dma_start3A_71] : memref<65536x1024xf32, #tpu.memory_space<any>> -> memref<512x1024xf32, #tpu.memory_space<any>>
    tpu.enqueue_dma source(%dma_start3A_72 : memref<512x1024xf32, #tpu.memory_space<any>>) target(%arg5 : memref<512x1024xf32, #tpu.memory_space<vmem>>) target_semaphore(%arg13 : memref<!tpu.dma_semaphore, #tpu.memory_space<semaphore_mem>>)
    %dma_wait3A_73 = arith.constant 0 : i32
    %dma_wait3A_74 = tpu.memref_slice %arg1[%add3A_18, %dma_wait3A_73] : memref<65536x1024xf32, #tpu.memory_space<any>> -> memref<512x1024xf32, #tpu.memory_space<any>>
    tpu.wait_dma2 semaphore(%arg15 : memref<!tpu.dma_semaphore, #tpu.memory_space<semaphore_mem>>) src(%dma_wait3A_74 : memref<512x1024xf32, #tpu.memory_space<any>>) dst(%arg7 : memref<512x1024xf32, #tpu.memory_space<vmem>>)
    %dma_start3A_75 = arith.constant 4096 : i32
    %dma_start3A_76 = arith.constant 0 : i32
    %dma_start3A_77 = tpu.memref_slice %arg2[%dma_start3A_75, %dma_start3A_76] : memref<8192x1024xf32, #tpu.memory_space<any>> -> memref<512x1024xf32, #tpu.memory_space<any>>
    tpu.enqueue_dma source(%arg7 : memref<512x1024xf32, #tpu.memory_space<vmem>>) target(%dma_start3A_77 : memref<512x1024xf32, #tpu.memory_space<any>>) target_semaphore(%arg23 : memref<!tpu.dma_semaphore, #tpu.memory_space<semaphore_mem>>)
    %dma_wait3A_78 = arith.constant 3584 : i32
    %dma_wait3A_79 = arith.constant 0 : i32
    %dma_wait3A_80 = tpu.memref_slice %arg2[%dma_wait3A_78, %dma_wait3A_79] : memref<8192x1024xf32, #tpu.memory_space<any>> -> memref<512x1024xf32, #tpu.memory_space<any>>
    tpu.wait_dma2 semaphore(%arg22 : memref<!tpu.dma_semaphore, #tpu.memory_space<semaphore_mem>>) src(%arg6 : memref<512x1024xf32, #tpu.memory_space<vmem>>) dst(%dma_wait3A_80 : memref<512x1024xf32, #tpu.memory_space<any>>)
    %add3A_81 = arith.constant 5632 : i32
    %add3A_82 = arith.addi %add3A_1, %add3A_81 : i32
    %dma_start3A_83 = arith.constant 0 : i32
    %dma_start3A_84 = tpu.memref_slice %arg1[%add3A_82, %dma_start3A_83] : memref<65536x1024xf32, #tpu.memory_space<any>> -> memref<512x1024xf32, #tpu.memory_space<any>>
    tpu.enqueue_dma source(%dma_start3A_84 : memref<512x1024xf32, #tpu.memory_space<any>>) target(%arg6 : memref<512x1024xf32, #tpu.memory_space<vmem>>) target_semaphore(%arg14 : memref<!tpu.dma_semaphore, #tpu.memory_space<semaphore_mem>>)
    %dma_wait3A_85 = arith.constant 0 : i32
    %dma_wait3A_86 = tpu.memref_slice %arg1[%add3A_22, %dma_wait3A_85] : memref<65536x1024xf32, #tpu.memory_space<any>> -> memref<512x1024xf32, #tpu.memory_space<any>>
    tpu.wait_dma2 semaphore(%arg16 : memref<!tpu.dma_semaphore, #tpu.memory_space<semaphore_mem>>) src(%dma_wait3A_86 : memref<512x1024xf32, #tpu.memory_space<any>>) dst(%arg8 : memref<512x1024xf32, #tpu.memory_space<vmem>>)
    %dma_start3A_87 = arith.constant 4608 : i32
    %dma_start3A_88 = arith.constant 0 : i32
    %dma_start3A_89 = tpu.memref_slice %arg2[%dma_start3A_87, %dma_start3A_88] : memref<8192x1024xf32, #tpu.memory_space<any>> -> memref<512x1024xf32, #tpu.memory_space<any>>
    tpu.enqueue_dma source(%arg8 : memref<512x1024xf32, #tpu.memory_space<vmem>>) target(%dma_start3A_89 : memref<512x1024xf32, #tpu.memory_space<any>>) target_semaphore(%arg24 : memref<!tpu.dma_semaphore, #tpu.memory_space<semaphore_mem>>)
    %dma_wait3A_90 = arith.constant 0 : i32
    %dma_wait3A_91 = tpu.memref_slice %arg1[%add3A_26, %dma_wait3A_90] : memref<65536x1024xf32, #tpu.memory_space<any>> -> memref<512x1024xf32, #tpu.memory_space<any>>
    tpu.wait_dma2 semaphore(%arg17 : memref<!tpu.dma_semaphore, #tpu.memory_space<semaphore_mem>>) src(%dma_wait3A_91 : memref<512x1024xf32, #tpu.memory_space<any>>) dst(%arg9 : memref<512x1024xf32, #tpu.memory_space<vmem>>)
    %dma_start3A_92 = arith.constant 5120 : i32
    %dma_start3A_93 = arith.constant 0 : i32
    %dma_start3A_94 = tpu.memref_slice %arg2[%dma_start3A_92, %dma_start3A_93] : memref<8192x1024xf32, #tpu.memory_space<any>> -> memref<512x1024xf32, #tpu.memory_space<any>>
    tpu.enqueue_dma source(%arg9 : memref<512x1024xf32, #tpu.memory_space<vmem>>) target(%dma_start3A_94 : memref<512x1024xf32, #tpu.memory_space<any>>) target_semaphore(%arg25 : memref<!tpu.dma_semaphore, #tpu.memory_space<semaphore_mem>>)
    %dma_wait3A_95 = arith.constant 0 : i32
    %dma_wait3A_96 = tpu.memref_slice %arg1[%add3A_34, %dma_wait3A_95] : memref<65536x1024xf32, #tpu.memory_space<any>> -> memref<512x1024xf32, #tpu.memory_space<any>>
    tpu.wait_dma2 semaphore(%arg18 : memref<!tpu.dma_semaphore, #tpu.memory_space<semaphore_mem>>) src(%dma_wait3A_96 : memref<512x1024xf32, #tpu.memory_space<any>>) dst(%arg10 : memref<512x1024xf32, #tpu.memory_space<vmem>>)
    %dma_start3A_97 = arith.constant 5632 : i32
    %dma_start3A_98 = arith.constant 0 : i32
    %dma_start3A_99 = tpu.memref_slice %arg2[%dma_start3A_97, %dma_start3A_98] : memref<8192x1024xf32, #tpu.memory_space<any>> -> memref<512x1024xf32, #tpu.memory_space<any>>
    tpu.enqueue_dma source(%arg10 : memref<512x1024xf32, #tpu.memory_space<vmem>>) target(%dma_start3A_99 : memref<512x1024xf32, #tpu.memory_space<any>>) target_semaphore(%arg26 : memref<!tpu.dma_semaphore, #tpu.memory_space<semaphore_mem>>)
    %dma_wait3A_100 = arith.constant 0 : i32
    %dma_wait3A_101 = tpu.memref_slice %arg1[%add3A_46, %dma_wait3A_100] : memref<65536x1024xf32, #tpu.memory_space<any>> -> memref<512x1024xf32, #tpu.memory_space<any>>
    tpu.wait_dma2 semaphore(%arg11 : memref<!tpu.dma_semaphore, #tpu.memory_space<semaphore_mem>>) src(%dma_wait3A_101 : memref<512x1024xf32, #tpu.memory_space<any>>) dst(%arg3 : memref<512x1024xf32, #tpu.memory_space<vmem>>)
    %dma_start3A_102 = arith.constant 6144 : i32
    %dma_start3A_103 = arith.constant 0 : i32
    %dma_start3A_104 = tpu.memref_slice %arg2[%dma_start3A_102, %dma_start3A_103] : memref<8192x1024xf32, #tpu.memory_space<any>> -> memref<512x1024xf32, #tpu.memory_space<any>>
    tpu.enqueue_dma source(%arg3 : memref<512x1024xf32, #tpu.memory_space<vmem>>) target(%dma_start3A_104 : memref<512x1024xf32, #tpu.memory_space<any>>) target_semaphore(%arg19 : memref<!tpu.dma_semaphore, #tpu.memory_space<semaphore_mem>>)
    %dma_wait3A_105 = arith.constant 0 : i32
    %dma_wait3A_106 = tpu.memref_slice %arg1[%add3A_58, %dma_wait3A_105] : memref<65536x1024xf32, #tpu.memory_space<any>> -> memref<512x1024xf32, #tpu.memory_space<any>>
    tpu.wait_dma2 semaphore(%arg12 : memref<!tpu.dma_semaphore, #tpu.memory_space<semaphore_mem>>) src(%dma_wait3A_106 : memref<512x1024xf32, #tpu.memory_space<any>>) dst(%arg4 : memref<512x1024xf32, #tpu.memory_space<vmem>>)
    %dma_start3A_107 = arith.constant 6656 : i32
    %dma_start3A_108 = arith.constant 0 : i32
    %dma_start3A_109 = tpu.memref_slice %arg2[%dma_start3A_107, %dma_start3A_108] : memref<8192x1024xf32, #tpu.memory_space<any>> -> memref<512x1024xf32, #tpu.memory_space<any>>
    tpu.enqueue_dma source(%arg4 : memref<512x1024xf32, #tpu.memory_space<vmem>>) target(%dma_start3A_109 : memref<512x1024xf32, #tpu.memory_space<any>>) target_semaphore(%arg20 : memref<!tpu.dma_semaphore, #tpu.memory_space<semaphore_mem>>)
    %dma_wait3A_110 = arith.constant 0 : i32
    %dma_wait3A_111 = tpu.memref_slice %arg1[%add3A_70, %dma_wait3A_110] : memref<65536x1024xf32, #tpu.memory_space<any>> -> memref<512x1024xf32, #tpu.memory_space<any>>
    tpu.wait_dma2 semaphore(%arg13 : memref<!tpu.dma_semaphore, #tpu.memory_space<semaphore_mem>>) src(%dma_wait3A_111 : memref<512x1024xf32, #tpu.memory_space<any>>) dst(%arg5 : memref<512x1024xf32, #tpu.memory_space<vmem>>)
    %dma_start3A_112 = arith.constant 7168 : i32
    %dma_start3A_113 = arith.constant 0 : i32
    %dma_start3A_114 = tpu.memref_slice %arg2[%dma_start3A_112, %dma_start3A_113] : memref<8192x1024xf32, #tpu.memory_space<any>> -> memref<512x1024xf32, #tpu.memory_space<any>>
    tpu.enqueue_dma source(%arg5 : memref<512x1024xf32, #tpu.memory_space<vmem>>) target(%dma_start3A_114 : memref<512x1024xf32, #tpu.memory_space<any>>) target_semaphore(%arg21 : memref<!tpu.dma_semaphore, #tpu.memory_space<semaphore_mem>>)
    %dma_wait3A_115 = arith.constant 0 : i32
    %dma_wait3A_116 = tpu.memref_slice %arg1[%add3A_82, %dma_wait3A_115] : memref<65536x1024xf32, #tpu.memory_space<any>> -> memref<512x1024xf32, #tpu.memory_space<any>>
    tpu.wait_dma2 semaphore(%arg14 : memref<!tpu.dma_semaphore, #tpu.memory_space<semaphore_mem>>) src(%dma_wait3A_116 : memref<512x1024xf32, #tpu.memory_space<any>>) dst(%arg6 : memref<512x1024xf32, #tpu.memory_space<vmem>>)
    %dma_start3A_117 = arith.constant 7680 : i32
    %dma_start3A_118 = arith.constant 0 : i32
    %dma_start3A_119 = tpu.memref_slice %arg2[%dma_start3A_117, %dma_start3A_118] : memref<8192x1024xf32, #tpu.memory_space<any>> -> memref<512x1024xf32, #tpu.memory_space<any>>
    tpu.enqueue_dma source(%arg6 : memref<512x1024xf32, #tpu.memory_space<vmem>>) target(%dma_start3A_119 : memref<512x1024xf32, #tpu.memory_space<any>>) target_semaphore(%arg22 : memref<!tpu.dma_semaphore, #tpu.memory_space<semaphore_mem>>)
    %dma_wait3A_120 = arith.constant 4096 : i32
    %dma_wait3A_121 = arith.constant 0 : i32
    %dma_wait3A_122 = tpu.memref_slice %arg2[%dma_wait3A_120, %dma_wait3A_121] : memref<8192x1024xf32, #tpu.memory_space<any>> -> memref<512x1024xf32, #tpu.memory_space<any>>
    tpu.wait_dma2 semaphore(%arg23 : memref<!tpu.dma_semaphore, #tpu.memory_space<semaphore_mem>>) src(%arg7 : memref<512x1024xf32, #tpu.memory_space<vmem>>) dst(%dma_wait3A_122 : memref<512x1024xf32, #tpu.memory_space<any>>)
    %dma_wait3A_123 = arith.constant 4608 : i32
    %dma_wait3A_124 = arith.constant 0 : i32
    %dma_wait3A_125 = tpu.memref_slice %arg2[%dma_wait3A_123, %dma_wait3A_124] : memref<8192x1024xf32, #tpu.memory_space<any>> -> memref<512x1024xf32, #tpu.memory_space<any>>
    tpu.wait_dma2 semaphore(%arg24 : memref<!tpu.dma_semaphore, #tpu.memory_space<semaphore_mem>>) src(%arg8 : memref<512x1024xf32, #tpu.memory_space<vmem>>) dst(%dma_wait3A_125 : memref<512x1024xf32, #tpu.memory_space<any>>)
    %dma_wait3A_126 = arith.constant 5120 : i32
    %dma_wait3A_127 = arith.constant 0 : i32
    %dma_wait3A_128 = tpu.memref_slice %arg2[%dma_wait3A_126, %dma_wait3A_127] : memref<8192x1024xf32, #tpu.memory_space<any>> -> memref<512x1024xf32, #tpu.memory_space<any>>
    tpu.wait_dma2 semaphore(%arg25 : memref<!tpu.dma_semaphore, #tpu.memory_space<semaphore_mem>>) src(%arg9 : memref<512x1024xf32, #tpu.memory_space<vmem>>) dst(%dma_wait3A_128 : memref<512x1024xf32, #tpu.memory_space<any>>)
    %dma_wait3A_129 = arith.constant 5632 : i32
    %dma_wait3A_130 = arith.constant 0 : i32
    %dma_wait3A_131 = tpu.memref_slice %arg2[%dma_wait3A_129, %dma_wait3A_130] : memref<8192x1024xf32, #tpu.memory_space<any>> -> memref<512x1024xf32, #tpu.memory_space<any>>
    tpu.wait_dma2 semaphore(%arg26 : memref<!tpu.dma_semaphore, #tpu.memory_space<semaphore_mem>>) src(%arg10 : memref<512x1024xf32, #tpu.memory_space<vmem>>) dst(%dma_wait3A_131 : memref<512x1024xf32, #tpu.memory_space<any>>)
    %dma_wait3A_132 = arith.constant 6144 : i32
    %dma_wait3A_133 = arith.constant 0 : i32
    %dma_wait3A_134 = tpu.memref_slice %arg2[%dma_wait3A_132, %dma_wait3A_133] : memref<8192x1024xf32, #tpu.memory_space<any>> -> memref<512x1024xf32, #tpu.memory_space<any>>
    tpu.wait_dma2 semaphore(%arg19 : memref<!tpu.dma_semaphore, #tpu.memory_space<semaphore_mem>>) src(%arg3 : memref<512x1024xf32, #tpu.memory_space<vmem>>) dst(%dma_wait3A_134 : memref<512x1024xf32, #tpu.memory_space<any>>)
    %dma_wait3A_135 = arith.constant 6656 : i32
    %dma_wait3A_136 = arith.constant 0 : i32
    %dma_wait3A_137 = tpu.memref_slice %arg2[%dma_wait3A_135, %dma_wait3A_136] : memref<8192x1024xf32, #tpu.memory_space<any>> -> memref<512x1024xf32, #tpu.memory_space<any>>
    tpu.wait_dma2 semaphore(%arg20 : memref<!tpu.dma_semaphore, #tpu.memory_space<semaphore_mem>>) src(%arg4 : memref<512x1024xf32, #tpu.memory_space<vmem>>) dst(%dma_wait3A_137 : memref<512x1024xf32, #tpu.memory_space<any>>)
    %dma_wait3A_138 = arith.constant 7168 : i32
    %dma_wait3A_139 = arith.constant 0 : i32
    %dma_wait3A_140 = tpu.memref_slice %arg2[%dma_wait3A_138, %dma_wait3A_139] : memref<8192x1024xf32, #tpu.memory_space<any>> -> memref<512x1024xf32, #tpu.memory_space<any>>
    tpu.wait_dma2 semaphore(%arg21 : memref<!tpu.dma_semaphore, #tpu.memory_space<semaphore_mem>>) src(%arg5 : memref<512x1024xf32, #tpu.memory_space<vmem>>) dst(%dma_wait3A_140 : memref<512x1024xf32, #tpu.memory_space<any>>)
    %dma_wait3A_141 = arith.constant 7680 : i32
    %dma_wait3A_142 = arith.constant 0 : i32
    %dma_wait3A_143 = tpu.memref_slice %arg2[%dma_wait3A_141, %dma_wait3A_142] : memref<8192x1024xf32, #tpu.memory_space<any>> -> memref<512x1024xf32, #tpu.memory_space<any>>
    tpu.wait_dma2 semaphore(%arg22 : memref<!tpu.dma_semaphore, #tpu.memory_space<semaphore_mem>>) src(%arg6 : memref<512x1024xf32, #tpu.memory_space<vmem>>) dst(%dma_wait3A_143 : memref<512x1024xf32, #tpu.memory_space<any>>)
    return
  }
}

</mosaic_0001>

<sc_bundles>
// kernel: kernel.5.cloned.1.call-start
scs
__scs_entry_jumppad:
0x0: {  	(pc) =	sbr.rel $0x88, $3  }
0x1: {  	(tag) =	ssettag $0x0;
	lr =	simm.s32 $0x1  }
0x2: {  	[smem:$0x3F9F] =	sst lr;
	_ =	strace $0xD0000000  }
0x3: {  	_ = 	snop  }
0x4: {  	_ = 	snop  }
0x5: {  	_ = 	snop  }
0x6: {  	_ = 	snop  }
0x7: {  	_ = 	snop  }
__scs_overlays_trampoline_lowered:
0x8: {  	[smem:$0x3FAE] =	sst s0  }
0x9: {  	[smem:$0x3FAF] =	sst s1  }
0xa: {  	[smem:$0x3FB0] =	sst s2  }
0xb: {  	[smem:$0x3FB1] =	sst s3  }
0xc: {  	[smem:$0x3FB2] =	sst s4  }
0xd: {  	[smem:$0x3FB3] =	sst s5  }
0xe: {  	[smem:$0x3FB4] =	sst s6  }
0xf: {  	[smem:$0x3FB5] =	sst s7  }
0x10: {  	[smem:$0x3FB6] =	sst s8  }
0x11: {  	[smem:$0x3FB7] =	sst s9;
	s0 =	simm.s32 @!p0 $0x0  }
0x12: {  	s1 =	sld [smem:$0x3F9D];
	s0 =	simm.s32 @p0 $0x1  }
0x13: {  	[smem:$0x3FB8] =	sst s0;
	s0 =	simm.s32 @!p1 $0x0  }
0x14: {  	s2 =	sld [smem:$0x3F9C];
	s0 =	simm.s32 @p1 $0x1  }
0x15: {  	[smem:$0x3FB9] =	sst s0;
	s0 =	simm.s32 @!p2 $0x0  }
0x16: {  	s3 =	sld [smem:$0x3FDB];
	s0 =	simm.s32 @p2 $0x1  }
0x17: {  	s4 =	simm.s32 $0x1BF5;
	[smem:$0x3FBB] =	sst s0  }
0x18: {  	s0 =	sld [smem:$0x3F9E];
	_ =	swait.ge [sflag:s4], $0x0  }
0x19: {  	s7 =	sld [smem:$0x3F9F]  }
0x1a: {  	s8 =	sadd.s32 $0xFFFFE003, lr  }
0x1b: {  	s9 =	sadd.s32 $0xFFFFFEF7, lr;
	s5 =	simm.s32 $0xFFFFFFFF;
	p2 =	slt.u32 s8, $0xFFFFF086  }
0x1c: {  	p1 =	slt.u32 s9, $0xF7A;
	s5 =	simm.s32 @!p2 $0x0  }
0x1d: {  	s5 =	simm.s32 @p1 $0x1;
	p0 =	seq.s32 s7, s2  }
0x1e: {  	s7 =	smul.u32 @!p0 $0xF7A, s2;
	p2 =	seq.s32 @!p0 s5, $0x0  }
0x1f: {  	s9 =	smul.u32 $0xF7A, s1;
	s8 =	simm.s32 @!p0 $0x1BF5;
	p2 =	por !p2, p0  }
0x20: {  	[sflag:s8] =	ssyncset.s32 @!p0 $0xFFFFF086;
	s6 =	sadd.s32 @!p0 s3, s7;
	s7 =	simm.s32 @!p0 $0x108  }
0x21: {  	s3 =	sadd.s32 s3, s9;
	s6 =	sadd.s32 @!p0 $0x88, s6;
	s7 =	simm.s32 @p2 $0x1082  }
0x22: {  	[simem:s7], [sflag:s8] =	dma.local @!p0 [hbm:s6], $0xF7A  }
0x23: {  	s9 =	sor.u32 $0xD0000000, s2;
	s6 =	simm.s32 $0x108;
	_ =	swait.ge @!p0 [sflag:s8], $0x0  }
0x24: {  	s3 =	sadd.s32 $0x88, s3;
	s6 =	simm.s32 @!p1 $0x1082;
	[sflag:s4] =	ssyncset.s32 $0xFFFFF086  }
0x25: {  	[simem:s6], [sflag:s4] =	dma.local [hbm:s3], $0xF7A  }
0x26: {  	[smem:$0x3F9F] =	sst s1;
	(tag) =	ssettag s2;
	_ =	strace s9  }
0x27: {  	s1 =	sld [smem:$0x3FAF]  }
0x28: {  	s2 =	sld [smem:$0x3FB0]  }
0x29: {  	s4 =	sld [smem:$0x3FB2]  }
0x2a: {  	p0 =	seq.s32 s5, $0x0;
	s5 =	sld [smem:$0x3FB3]  }
0x2b: {  	s6 =	sld [smem:$0x3FB4]  }
0x2c: {  	s7 =	sld [smem:$0x3FB5]  }
0x2d: {  	s3 =	simm.s32 $0x108;
	s8 =	sld [smem:$0x3FB6]  }
0x2e: {  	s3 =	simm.s32 @!p0 $0x1082;
	s9 =	sld [smem:$0x3FB7]  }
0x2f: {  	lr =	sadd.s32 s0, s3;
	s0 =	sld [smem:$0x3FAE]  }
0x30: {  	s3 =	sld [smem:$0x3FB1]  }
0x31: {  	[smem:$0x3FBA] =	sst s10  }
0x32: {  	s10 =	sld [smem:$0x3FB8];
	_ =	sdelay $0x3  }
0x33: {  	p0 =	seq.s32 s10, $0x1;
	s10 =	sld [smem:$0x3FBA];
	_ =	sdelay $0x3  }
0x34: {  	[smem:$0x3FBA] =	sst s10  }
0x35: {  	s10 =	sld [smem:$0x3FB9];
	_ =	sdelay $0x3  }
0x36: {  	p1 =	seq.s32 s10, $0x1;
	s10 =	sld [smem:$0x3FBA];
	_ =	sdelay $0x3  }
0x37: {  	[smem:$0x3FBA] =	sst s10  }
0x38: {  	s10 =	sld [smem:$0x3FBB]  }
0x39: {  	_ = 	snop;
	(pc) =	sbr.ind lr, $3  }
0x3a: {  	_ = 	snop  }
0x3b: {  	_ = 	snop  }
0x3c: {  	p2 =	seq.s32 s10, $0x1;
	s10 =	sld [smem:$0x3FBA]  }
0x3d: {  	_ =	shalt  }
0x3e: {  	_ =	shalt  }
0x3f: {  	_ =	shalt  }
0x40: {  	_ =	shalt  }
0x41: {  	_ =	shalt  }
0x42: {  	_ =	shalt  }
0x43: {  	_ =	shalt  }
0x44: {  	_ =	shalt  }
0x45: {  	_ =	shalt  }
0x46: {  	_ =	shalt  }
0x47: {  	_ =	shalt  }
0x48: {  	_ =	shalt  }
0x49: {  	_ =	shalt  }
0x4a: {  	_ =	shalt  }
0x4b: {  	_ =	shalt  }
0x4c: {  	_ =	shalt  }
0x4d: {  	_ =	shalt  }
0x4e: {  	_ =	shalt  }
0x4f: {  	_ =	shalt  }
0x50: {  	_ =	shalt  }
0x51: {  	_ =	shalt  }
0x52: {  	_ =	shalt  }
0x53: {  	_ =	shalt  }
0x54: {  	_ =	shalt  }
0x55: {  	_ =	shalt  }
0x56: {  	_ =	shalt  }
0x57: {  	_ =	shalt  }
0x58: {  	_ =	shalt  }
0x59: {  	_ =	shalt  }
0x5a: {  	_ =	shalt  }
0x5b: {  	_ =	shalt  }
0x5c: {  	_ =	shalt  }
0x5d: {  	_ =	shalt  }
0x5e: {  	_ =	shalt  }
0x5f: {  	_ =	shalt  }
0x60: {  	_ =	shalt  }
0x61: {  	_ =	shalt  }
0x62: {  	_ =	shalt  }
0x63: {  	_ =	shalt  }
0x64: {  	_ =	shalt  }
0x65: {  	_ =	shalt  }
0x66: {  	_ =	shalt  }
0x67: {  	_ =	shalt  }
0x68: {  	_ =	shalt  }
0x69: {  	_ =	shalt  }
0x6a: {  	_ =	shalt  }
0x6b: {  	_ =	shalt  }
0x6c: {  	_ =	shalt  }
0x6d: {  	_ =	shalt  }
0x6e: {  	_ =	shalt  }
0x6f: {  	_ =	shalt  }
0x70: {  	_ =	shalt  }
0x71: {  	_ =	shalt  }
0x72: {  	_ =	shalt  }
0x73: {  	_ =	shalt  }
0x74: {  	_ =	shalt  }
0x75: {  	_ =	shalt  }
0x76: {  	_ =	shalt  }
0x77: {  	_ =	shalt  }
0x78: {  	_ =	shalt  }
0x79: {  	_ =	shalt  }
0x7a: {  	_ =	shalt  }
0x7b: {  	_ =	shalt  }
0x7c: {  	_ =	shalt  }
0x7d: {  	_ =	shalt  }
0x7e: {  	_ =	shalt  }
0x7f: {  	_ =	shalt  }
0x80: {  	_ =	shalt  }
0x81: {  	_ =	shalt  }
0x82: {  	_ =	shalt  }
0x83: {  	_ =	shalt  }
0x84: {  	_ =	shalt  }
0x85: {  	_ =	shalt  }
0x86: {  	_ =	shalt  }
0x87: {  	_ =	shalt  }
.Lfunc_end0:
.L_simem_size_0:
called_computation_lowered:
.L_overlay_start_0:
0x88: {  	s2 =	sld [smem:$0x3FD9]  }
0x89: {  	s3 =	sld [smem:$0x3FFE];
	_ =	sdelay $0x1  }
0x8a: {  	s1 =	srdreg.scid  }
0x8b: {  	s0 =	sand.u32 $0x1, s1  }
0x8c: {  	s17 =	sshll.u32 s0, $0xA;
	s2 =	sadd.s32 s3, s2  }
0x8d: {  	s2 =	sadd.s32 s2, s17  }
0x8e: {  	[smem:$0x3FC6] =	sst s2  }
0x8f: {  	_ = 	snop  }
0x90: {  	s2 =	sld [smem:$0x3FC9];
	(tm) =	ssettm $0x1  }
0x91: {  	s18 =	sld [smem:$0x3FFB];
	_ =	sdelay $0x3  }
0x92: {  	_ =	strace s18  }
0x93: {  	s3 =	sld [smem:$0x3FFC];
	_ =	sdelay $0x3  }
0x94: {  	_ =	strace s3  }
0x95: {  	s3 =	sld [smem:$0x3FFD];
	_ =	sdelay $0x3  }
0x96: {  	_ =	strace s3  }
0x97: {  	_ =	strace $0x8FFFFFFF  }
0x98: {  	s19 =	sld [smem:$0x3FDB];
	_ =	sdelay $0x1  }
0x99: {  	s4 =	simm.s32 $_scs_section_size  }
0x9a: {  	s5 =	simm.s32 $_size__tile_overlayer_lowered;
	s6 =	simm.s32 $_tile_overlayer_lowered  }
0x9b: {  	s22 =	simm.s32 $0x1BFF;
	s21 =	sshll.u32 s6, $0x1;
	s3 =	sadd.s32 s4, s19  }
0x9c: {  	s7 =	simm.s32 $0x0;
	s20 =	sshll.u32 s5, $0x1;
	s5 =	sadd.s32 s21, s3  }
0x9d: {  	[timem:s7], [sflag:s22] =	dma.local [hbm:s5], s20  }
0x9e: {  	_ =	swait.ge [sflag:s22], s20  }
0x9f: {  	s4 =	ssub.s32 $0x0, s20;
	[sflag:s22] =	ssyncset.done $0x0  }
0xa0: {  	[sflag:s22] =	ssyncadd.s32 s4;
	_ =	sdelay $0x1  }
0xa1: {  	s23 =	simm.s32 $0x1B8B  }
0xa2: {  	_ =	swait.ge [sflag:s23], $0x1  }
0xa3: {  	[sflag:s23] =	ssyncset.done $0x0  }
0xa4: {  	s25 =	simm.s32 $0x1B8E;
	s24 =	sld [smem:$0x3FFE];
	[sflag:s23] =	ssyncadd.s32 $0xFFFFFFFF  }
0xa5: {  	s26 =	simm.s32 $execute0_lowered;
	[smem:$0x3FD2] =	sst s25  }
0xa6: {  	s5 =	sshll.u32 s26, $0x1;
	_ =	strace $0x80000046;
	[dreg:$0x1] =	wrdreg $0xFFFFFFFF  }
0xa7: {  	s28 =	simm.s32 $_size_execute0_lowered;
	s3 =	sadd.s32 s3, s5;
	[dreg:$0x0] =	wrdreg $0x0  }
0xa8: {  	s5 =	sshll.u32 s28, $0x1;
	[dreg:$0x2] =	wrdreg s3  }
0xa9: {  	[dreg:$0x3] =	wrdreg s5  }
0xaa: {  	[dreg:$0x4] =	wrdreg $0xC0  }
0xab: {  	_ =	task [dreg:s7], $0x5FFFF  }
0xac: {  	[dreg:$0x1] =	wrdreg $0xFFFFFFFF  }
0xad: {  	[dreg:$0x0] =	wrdreg $0x60  }
0xae: {  	[dreg:$0x2] =	wrdreg s2  }
0xaf: {  	[dreg:$0x3] =	wrdreg s24  }
0xb0: {  	[dreg:$0x4] =	wrdreg $0x9  }
0xb1: {  	_ =	task.clear_ibuf [dreg:s7], $0x5FFFF;
	_ =	strace $0x90000046  }
0xb2: {  	s29 =	simm.s32 $0x9;
	_ =	strace $0x80000048  }
0xb3: {  	_ =	swait.ge [sflag:s29], $0x1  }
0xb4: {  	[sflag:s29] =	ssyncadd.s32 $0xFFFFFFFF  }
0xb5: {  	_ =	strace $0x90000048  }
0xb6: {  	_ =	sfence  }
0xb7: {  	s30 =	sld [smem:$0x0];
	_ =	sdelay $0x2  }
0xb8: {  	s31 =	sshll.u32 s1, $0xD;
	s1 =	sshrl.u32 s1, $0x2  }
0xb9: {  	s3 =	sand.u32 $0x4000, s31;
	s1 =	sadd.s32 s1, s30  }
0xba: {  	s0 =	sor.u32 s3, s0;
	s1 =	sshll.u32 s1, $0x11  }
0xbb: {  	s0 =	sor.u32 s1, s0  }
0xbc: {  	s0 =	sadd.s32 $0x8F2B, s0  }
0xbd: {  	[sflag:s0] =	ssyncadd.remote.s32 $0x1  }
0xbe: {  	_ =	sfence.sel $0xFFFF  }
0xbf: {  	[dreg:$0x0] =	wrdreg $0xFFFFFFFF;
	(pc) =	sbr.abs _section_cstart, $3  }
0xc0: {  	[dreg:$0x1] =	wrdreg $0xFFFFFFFF  }
0xc1: {  	_ =	task.clear_ibuf [dreg:s7], $0x2FFFF;
	_ =	strace $0x9FFFFFFF  }
0xc2: {  	(tm) =	ssettm $0x7FFFFFFF  }
0xc3: {  	_ =	shalt  }
tec
execute0_lowered:
.L_overlay_start_1:
0x0: {  	(tag) =	ssettag $0x1  }
0x1: {  	s1 =	rddreg [dreg:$0x0]  }
0x2: {  	s9 =	rddreg [dreg:$0x1]  }
0x3: {  	s0 =	rddreg [dreg:$0x2];
	s2 =	simm.s32 $0x0  }
0x4: {  	[smem:$0x7FF] =	sst s2  }
0x5: {  	s4 =	simm.s32 $0x3;
	s3 =	sadd.s32 $0x800, s9;
	_ =	strace $0x80000047  }
0x6: {  	[tilespmem:s2], [sflag:$0x3] =	stream.linear.gather [hbm4b:s3+s2], $0x80, $0x38;
	[tilespmem:$0x10080] =	vst v63  }
0x7: {  	_ =	swait.ge [sflag:s4], $0x80  }
0x8: {  	[sflag:s4] =	ssyncset.done $0x0  }
0x9: {  	[sflag:s4] =	ssyncadd.s32 $0xFFFFFF80  }
0xa: {  	v0 =	vld [tilespmem:$0x0];
	_ =	sdelay $0x4  }
0xb: {  	(v2sf) =	vpush v0, $0x0;
	_ =	sdelay $0xb  }
0xc: {  	s6 =	srdreg.scid  }
0xd: {  	s5 =	stileid.u32;
	s7 =	sand.u32 $0x1, s6  }
0xe: {  	s29 =	sshll.u32 s5, $0x7;
	s8 =	sshll.u32 s7, $0x6;
	s11 =	ssub.s32 $0x2, s7  }
0xf: {  	s7 =	simm.s32 $0x80;
	s6 =	sor.u32 s8, s29;
	s30 =	spop (v2sf)  }
0x10: {  	s31 =	sshrl.u32 s11, $0x1;
	s10 =	sshll.u32 s6, $0x7;
	s8 =	sadd.s32 s6, s30  }
0x11: {  	s9 =	sadd.s32 s10, s9;
	s10 =	ssub.s32 s11, s31;
	s12 =	sshll.u32 s8, $0x7  }
0x12: {  	s11 =	smax.u32 s10, $0x1;
	s8 =	simm.s32 $0x1;
	s12 =	sadd.s32 s1, s12  }
0x13: {  	[tilespmem:s7], [sflag:$0x1] =	stream.linear.gather [hbm4b:s12+s2], $0x10000, $0x38;
	[tilespmem:$0x10080] =	vst v63  }
0x14: {  	p0 =	sne.s32 s11, $0x1;
	_ =	swait.ge [sflag:s8], $0x10000  }
.Ltmp0:
0x15: {  	[sflag:s8] =	ssyncset.done $0x0;
	(pc) =	sbr.rel @!p0 .LBB2_2-.Ltmp0, $4  }
0x16: {  	s9 =	sadd.s32 $0xA00, s9;
	s10 =	simm.s32 $0x2;
	[sflag:s8] =	ssyncadd.s32 $0xFFFF0000  }
0x17: {  	[hbm4b:s9+s2] =	stream.linear.scatter [tilespmem:s7], [sflag:$0x2], $0x10000, $0x38;
	[tilespmem:$0x10080] =	vst v63  }
0x18: {  	_ =	swait.ge [sflag:s10], $0x10000  }
0x19: {  	s11 =	sadd.s32 $0xFFFFFFFF, s11;
	[sflag:s10] =	ssyncset.done $0x0  }
.LBB2_1:
0x1a: {  	p0 =	sne.s32 s11, $0x1;
	s11 =	sadd.s32 $0xFFFFFFFF, s11;
	[sflag:s10] =	ssyncadd.s32 $0xFFFF0000  }
0x1b: {  	[tilespmem:s2], [sflag:$0x3] =	stream.linear.gather [hbm4b:s3+s2], $0x80, $0x38;
	[tilespmem:$0x10080] =	vst v63  }
0x1c: {  	_ =	swait.ge [sflag:s4], $0x80  }
0x1d: {  	[sflag:s4] =	ssyncset.done $0x0  }
0x1e: {  	[sflag:s4] =	ssyncadd.s32 $0xFFFFFF80  }
0x1f: {  	v0 =	vld [tilespmem:$0x0];
	_ =	sdelay $0x4  }
0x20: {  	(v2sf) =	vpush v0, $0x0;
	_ =	sdelay $0xe  }
0x21: {  	s12 =	spop (v2sf)  }
0x22: {  	s12 =	sadd.s32 s6, s12  }
0x23: {  	s12 =	sshll.u32 s12, $0x7  }
0x24: {  	s12 =	sadd.s32 s1, s12  }
0x25: {  	[tilespmem:s7], [sflag:$0x1] =	stream.linear.gather [hbm4b:s12+s2], $0x10000, $0x38;
	[tilespmem:$0x10080] =	vst v63  }
0x26: {  	_ =	swait.ge [sflag:s8], $0x10000  }
.Ltmp1:
0x27: {  	[sflag:s8] =	ssyncset.done $0x0;
	(pc) =	sbr.rel @p0 .LBB2_1-.Ltmp1, $4  }
0x28: {  	[sflag:s8] =	ssyncadd.s32 $0xFFFF0000  }
0x29: {  	[hbm4b:s9+s2] =	stream.linear.scatter [tilespmem:s7], [sflag:$0x2], $0x10000, $0x38;
	[tilespmem:$0x10080] =	vst v63  }
0x2a: {  	_ =	swait.ge [sflag:s10], $0x10000  }
0x2b: {  	[sflag:s10] =	ssyncset.done $0x0  }
.LBB2_2:
0x2c: {  	[sflag:s10] =	ssyncadd.s32 $0xFFFF0000  }
0x2d: {  	_ =	sfence.sel $0x180000  }
0x2e: {  	[bflag:$0x0] =	sbarrier.arrive $0xFFFF  }
0x2f: {  	p0 =	sne.s32 s5, $0x0;
	_ =	strace $0x90000047  }
0x30: {  	s0 =	sadd.s32 @!p0 $0x100000, s0;
	[bflag:$0x2] =	sbarrier.arrive $0xFFFF  }
0x31: {  	[sflag:s0] =	ssyncadd.tile.s32 @!p0 $0x1;
	_ =	shalt  }
.Lfunc_end2:
_tile_overlayer_lowered:
.L_overlay_start_2:
0x32: {  	(tag) =	ssettag $0x2  }
0x33: {  	s0 =	rddreg [dreg:$0x0];
	s2 =	stileid.u32  }
0x34: {  	s1 =	rddreg [dreg:$0x1];
	p0 =	sne.s32 s2, $0x0  }
0x35: {  	s3 =	rddreg [dreg:$0x2];
	[bflag:$0x3] =	sbarrier.arrive $0xFFFF;
	s2 =	simm.s32 @!p0 $0x1C03  }
0x36: {  	[timem:s3], [sflag:s2] =	dma.local @!p0 [hbm:s0], s1  }
0x37: {  	s0 =	simm.s32 @!p0 $0x3  }
0x38: {  	_ =	swait.ge @!p0 [sflag:s0], s1  }
0x39: {  	s1 =	ssub.s32 @!p0 $0x0, s1;
	[sflag:s0] =	ssyncset.done @!p0 $0x0  }
0x3a: {  	[sflag:s0] =	ssyncadd.s32 @!p0 s1  }
0x3b: {  	[bflag:$0x3] =	sbarrier.arrive $0xFFFF  }
0x3c: {  	_ =	shalt  }

</sc_bundles>
